<compile_context>
chip_gen: v7x
topology: tpu7x:2x2x1
jax: 0.10.2.dev20260603
libtpu: 0.0.44.dev20260713+nightly
codegen_flags: <defaults>
</compile_context>

<pallas_src>
import jax
import jax.numpy as jnp
from jax.experimental import pallas as pl
from jax.experimental.pallas import tpu as pltpu
from jax.experimental.pallas import tpu_sc as plsc

_UNROLL = 40


def _bf16_round(x):
    c = x * 65537.0
    return c - (c - x)


def kernel(dense_features, sparse_features, emb_weight, bot_w, top_w):
    n_valid = sparse_features.shape[0]
    n_rows, emb_dim = emb_weight.shape
    idx = sparse_features.astype(jnp.int32)

    mesh = plsc.ScalarSubcoreMesh(axis_name="c", num_cores=1)

    def body(idx_hbm, dense_hbm, emb_hbm, bot_hbm, top_hbm, out_hbm,
             idx_s, dense_s, emb_s, bot_s, top_s, out_s, sem_idx, sem_par):
        idx_copy = pltpu.make_async_copy(idx_hbm, idx_s, sem_idx)
        par_copies = [
            pltpu.make_async_copy(dense_hbm, dense_s, sem_par),
            pltpu.make_async_copy(emb_hbm, emb_s, sem_par),
            pltpu.make_async_copy(bot_hbm, bot_s, sem_par),
            pltpu.make_async_copy(top_hbm, top_s, sem_par),
        ]
        idx_copy.start()
        for c in par_copies:
            c.start()
        idx_copy.wait()

        def step(i, carry):
            s1, s2 = carry
            for u in range(_UNROLL):
                v = idx_s[i * _UNROLL + u]
                s1 = s1 + v
                s2 = s2 + v * v
            return s1, s2

        s1i, s2i = jax.lax.fori_loop(
            0, n_valid // _UNROLL, step, (jnp.int32(0), jnp.int32(0)))
        for u in range(n_valid - (n_valid // _UNROLL) * _UNROLL):
            v = idx_s[(n_valid // _UNROLL) * _UNROLL + u]
            s1i = s1i + v
            s2i = s2i + v * v
        for c in par_copies:
            c.wait()
        s1 = s1i.astype(jnp.float32)
        s2 = s2i.astype(jnp.float32)
        c2 = (s2 - s1) * 0.5
        c1 = 2.0 * s1 - s2
        counts = [float(n_valid) - c1 - c2, c1, c2]

        inv_n = 1.0 / float(n_valid)
        em = [
            sum(counts[r] * emb_s[r, c] for r in range(n_rows)) * inv_n
            for c in range(emb_dim)
        ]
        y = [2.0 * e for e in em]
        d = [_bf16_round(dense_s[0, k]) for k in range(emb_dim)]
        x = [
            sum(d[k] * _bf16_round(bot_s[j, k]) for k in range(2))
            for j in range(2)
        ]
        out = (x[0] * top_s[0, 0] + x[1] * top_s[0, 1]) + (
            y[0] * top_s[0, 2] + y[1] * top_s[0, 3])

        out_s[0, 0] = out
        pltpu.sync_copy(out_s, out_hbm)

    return pl.kernel(
        body,
        out_type=jax.ShapeDtypeStruct((1, 1), jnp.float32),
        mesh=mesh,
        compiler_params=pltpu.CompilerParams(needs_layout_passes=False),
        scratch_types=[
            pltpu.SMEM((n_valid,), jnp.int32),
            pltpu.SMEM((1, emb_dim), jnp.float32),
            pltpu.SMEM((n_rows, emb_dim), jnp.float32),
            pltpu.SMEM((2, 2), jnp.float32),
            pltpu.SMEM((1, 4), jnp.float32),
            pltpu.SMEM((1, 1), jnp.float32),
            pltpu.SemaphoreType.DMA,
            pltpu.SemaphoreType.DMA,
        ],
    )(idx, dense_features, emb_weight, bot_w, top_w)

# --- scband reference (transcript-rebuilt; emitter-appended) ---
"""Pipeline reference for scband-dlrm-net-19567871000667 (READ-ONLY COPY).

The authoritative reference and input builder live on the scoring server;
editing this copy changes nothing except your own understanding.
"""

import jax, jax.numpy as jnp
import numpy as np


def _all2all_mock(x):
    # All2allMock_sync.forward: input * 2
    return x * 2


def setup_inputs(seed: int = 0) -> dict:
    key = jax.random.key(seed)
    k1, k2 = jax.random.split(key)
    dense_features = jax.random.normal(k1, (1, 2), dtype=jnp.float32)
    # sparse feature ids for a single bag (offsets=[0]); values must be < 3 (table rows)
    sparse_features = jax.random.randint(k2, (200,), 0, 3)
    # get_em(2, 3): weight = ones((3, 2)); weight[0, :] *= 2
    emb_weight = jnp.ones((3, 2), dtype=jnp.float32).at[0, :].multiply(2.0)
    # get_linear(2, 2) and get_linear(4, 1): weights are all-ones, no bias
    bot_w = jnp.ones((2, 2), dtype=jnp.float32)
    top_w = jnp.ones((1, 4), dtype=jnp.float32)
    return {
        'dense_features': dense_features,
        'sparse_features': sparse_features,
        'emb_weight': emb_weight,
        'bot_w': bot_w,
        'top_w': top_w,
    }


def reference(dense_features, sparse_features, emb_weight, bot_w, top_w):
    # nn.EmbeddingBag default mode='mean' with offsets=[0] -> single bag mean
    gathered = jnp.take(emb_weight, sparse_features, axis=0)  # [L, 2]
    em_vecs = jnp.mean(gathered, axis=0, keepdims=True)  # [1, 2]
    y = _all2all_mock(em_vecs)  # [1, 2]
    x = dense_features @ bot_w.T  # [1, 2]
    z = jnp.concatenate((x, y), axis=1)  # [1, 4]
    out = z @ top_w.T  # [1, 1]
    return out

if __name__ == "__main__":
    import jax
    _d = setup_inputs()
    print(jax.jit(kernel)(*tuple(_d.values())))

</pallas_src>

<mosaic_0001>
#map = affine_map<(d0) -> (0)>
#map1 = affine_map<(d0) -> (0, 0)>
module attributes {stable_mosaic.version = 14 : i64} {
  func.func @body(%arg0: i32, %arg1: memref<200xi32, #tpu.memory_space<hbm>>, %arg2: memref<1x2xf32, #tpu.memory_space<hbm>>, %arg3: memref<3x2xf32, #tpu.memory_space<hbm>>, %arg4: memref<2x2xf32, #tpu.memory_space<hbm>>, %arg5: memref<1x4xf32, #tpu.memory_space<hbm>>, %arg6: memref<1x1xf32, #tpu.memory_space<hbm>>, %arg7: memref<200xi32, #tpu.memory_space<smem>>, %arg8: memref<1x2xf32, #tpu.memory_space<smem>>, %arg9: memref<3x2xf32, #tpu.memory_space<smem>>, %arg10: memref<2x2xf32, #tpu.memory_space<smem>>, %arg11: memref<1x4xf32, #tpu.memory_space<smem>>, %arg12: memref<1x1xf32, #tpu.memory_space<smem>>, %arg13: memref<!tpu.dma_semaphore, #tpu.memory_space<semaphore_mem>>, %arg14: memref<!tpu.dma_semaphore, #tpu.memory_space<semaphore_mem>>) attributes {dimension_semantics = [#tpu.dimension_semantics<core_parallel>], iteration_bounds = array<i64: 1>, scalar_prefetch = 0 : i64, scratch_operands = 8 : i64, tpu.core_type = #tpu.core_type<sc_scalar_subcore>, window_params = [{transform_indices = #map}, {transform_indices = #map1}, {transform_indices = #map1}, {transform_indices = #map1}, {transform_indices = #map1}, {transform_indices = #map1}]} {
    tpu.enqueue_dma source(%arg1 : memref<200xi32, #tpu.memory_space<hbm>>) target(%arg7 : memref<200xi32, #tpu.memory_space<smem>>) target_semaphore(%arg13 : memref<!tpu.dma_semaphore, #tpu.memory_space<semaphore_mem>>)
    tpu.enqueue_dma source(%arg2 : memref<1x2xf32, #tpu.memory_space<hbm>>) target(%arg8 : memref<1x2xf32, #tpu.memory_space<smem>>) target_semaphore(%arg14 : memref<!tpu.dma_semaphore, #tpu.memory_space<semaphore_mem>>)
    tpu.enqueue_dma source(%arg3 : memref<3x2xf32, #tpu.memory_space<hbm>>) target(%arg9 : memref<3x2xf32, #tpu.memory_space<smem>>) target_semaphore(%arg14 : memref<!tpu.dma_semaphore, #tpu.memory_space<semaphore_mem>>)
    tpu.enqueue_dma source(%arg4 : memref<2x2xf32, #tpu.memory_space<hbm>>) target(%arg10 : memref<2x2xf32, #tpu.memory_space<smem>>) target_semaphore(%arg14 : memref<!tpu.dma_semaphore, #tpu.memory_space<semaphore_mem>>)
    tpu.enqueue_dma source(%arg5 : memref<1x4xf32, #tpu.memory_space<hbm>>) target(%arg11 : memref<1x4xf32, #tpu.memory_space<smem>>) target_semaphore(%arg14 : memref<!tpu.dma_semaphore, #tpu.memory_space<semaphore_mem>>)
    tpu.wait_dma2 semaphore(%arg13 : memref<!tpu.dma_semaphore, #tpu.memory_space<semaphore_mem>>) src(%arg1 : memref<200xi32, #tpu.memory_space<hbm>>) dst(%arg7 : memref<200xi32, #tpu.memory_space<smem>>)
    %scan3A = arith.constant 0 : i32
    %scan3A_0 = arith.constant 0 : i32
    %scan3A_1 = arith.constant 0 : i32
    %scan3A_2 = arith.constant 5 : i32
    %scan3A_3 = arith.addi %scan3A_1, %scan3A_2 : i32
    %scan3A_4 = arith.constant 1 : i32
    %scan3A_5:2 = scf.for %scan3A_160 = %scan3A_1 to %scan3A_3 step %scan3A_4 iter_args(%scan3A_161 = %scan3A, %scan3A_162 = %scan3A_0) -> (i32, i32)  : i32 {
      %mul3A_163 = arith.constant 40 : i32
      %mul3A_164 = arith.muli %scan3A_160, %mul3A_163 : i32
      %add3A_165 = arith.constant 0 : i32
      %add3A_166 = arith.addi %mul3A_164, %add3A_165 : i32
      %get3A_167 = arith.index_cast %add3A_166 : i32 to index
      %get3A_168 = memref.load %arg7[%get3A_167] : memref<200xi32, #tpu.memory_space<smem>>
      %add3A_169 = arith.addi %scan3A_161, %get3A_168 : i32
      %mul3A_170 = arith.muli %get3A_168, %get3A_168 : i32
      %add3A_171 = arith.addi %scan3A_162, %mul3A_170 : i32
      %mul3A_172 = arith.constant 40 : i32
      %mul3A_173 = arith.muli %scan3A_160, %mul3A_172 : i32
      %add3A_174 = arith.constant 1 : i32
      %add3A_175 = arith.addi %mul3A_173, %add3A_174 : i32
      %get3A_176 = arith.index_cast %add3A_175 : i32 to index
      %get3A_177 = memref.load %arg7[%get3A_176] : memref<200xi32, #tpu.memory_space<smem>>
      %add3A_178 = arith.addi %add3A_169, %get3A_177 : i32
      %mul3A_179 = arith.muli %get3A_177, %get3A_177 : i32
      %add3A_180 = arith.addi %add3A_171, %mul3A_179 : i32
      %mul3A_181 = arith.constant 40 : i32
      %mul3A_182 = arith.muli %scan3A_160, %mul3A_181 : i32
      %add3A_183 = arith.constant 2 : i32
      %add3A_184 = arith.addi %mul3A_182, %add3A_183 : i32
      %get3A_185 = arith.index_cast %add3A_184 : i32 to index
      %get3A_186 = memref.load %arg7[%get3A_185] : memref<200xi32, #tpu.memory_space<smem>>
      %add3A_187 = arith.addi %add3A_178, %get3A_186 : i32
      %mul3A_188 = arith.muli %get3A_186, %get3A_186 : i32
      %add3A_189 = arith.addi %add3A_180, %mul3A_188 : i32
      %mul3A_190 = arith.constant 40 : i32
      %mul3A_191 = arith.muli %scan3A_160, %mul3A_190 : i32
      %add3A_192 = arith.constant 3 : i32
      %add3A_193 = arith.addi %mul3A_191, %add3A_192 : i32
      %get3A_194 = arith.index_cast %add3A_193 : i32 to index
      %get3A_195 = memref.load %arg7[%get3A_194] : memref<200xi32, #tpu.memory_space<smem>>
      %add3A_196 = arith.addi %add3A_187, %get3A_195 : i32
      %mul3A_197 = arith.muli %get3A_195, %get3A_195 : i32
      %add3A_198 = arith.addi %add3A_189, %mul3A_197 : i32
      %mul3A_199 = arith.constant 40 : i32
      %mul3A_200 = arith.muli %scan3A_160, %mul3A_199 : i32
      %add3A_201 = arith.constant 4 : i32
      %add3A_202 = arith.addi %mul3A_200, %add3A_201 : i32
      %get3A_203 = arith.index_cast %add3A_202 : i32 to index
      %get3A_204 = memref.load %arg7[%get3A_203] : memref<200xi32, #tpu.memory_space<smem>>
      %add3A_205 = arith.addi %add3A_196, %get3A_204 : i32
      %mul3A_206 = arith.muli %get3A_204, %get3A_204 : i32
      %add3A_207 = arith.addi %add3A_198, %mul3A_206 : i32
      %mul3A_208 = arith.constant 40 : i32
      %mul3A_209 = arith.muli %scan3A_160, %mul3A_208 : i32
      %add3A_210 = arith.constant 5 : i32
      %add3A_211 = arith.addi %mul3A_209, %add3A_210 : i32
      %get3A_212 = arith.index_cast %add3A_211 : i32 to index
      %get3A_213 = memref.load %arg7[%get3A_212] : memref<200xi32, #tpu.memory_space<smem>>
      %add3A_214 = arith.addi %add3A_205, %get3A_213 : i32
      %mul3A_215 = arith.muli %get3A_213, %get3A_213 : i32
      %add3A_216 = arith.addi %add3A_207, %mul3A_215 : i32
      %mul3A_217 = arith.constant 40 : i32
      %mul3A_218 = arith.muli %scan3A_160, %mul3A_217 : i32
      %add3A_219 = arith.constant 6 : i32
      %add3A_220 = arith.addi %mul3A_218, %add3A_219 : i32
      %get3A_221 = arith.index_cast %add3A_220 : i32 to index
      %get3A_222 = memref.load %arg7[%get3A_221] : memref<200xi32, #tpu.memory_space<smem>>
      %add3A_223 = arith.addi %add3A_214, %get3A_222 : i32
      %mul3A_224 = arith.muli %get3A_222, %get3A_222 : i32
      %add3A_225 = arith.addi %add3A_216, %mul3A_224 : i32
      %mul3A_226 = arith.constant 40 : i32
      %mul3A_227 = arith.muli %scan3A_160, %mul3A_226 : i32
      %add3A_228 = arith.constant 7 : i32
      %add3A_229 = arith.addi %mul3A_227, %add3A_228 : i32
      %get3A_230 = arith.index_cast %add3A_229 : i32 to index
      %get3A_231 = memref.load %arg7[%get3A_230] : memref<200xi32, #tpu.memory_space<smem>>
      %add3A_232 = arith.addi %add3A_223, %get3A_231 : i32
      %mul3A_233 = arith.muli %get3A_231, %get3A_231 : i32
      %add3A_234 = arith.addi %add3A_225, %mul3A_233 : i32
      %mul3A_235 = arith.constant 40 : i32
      %mul3A_236 = arith.muli %scan3A_160, %mul3A_235 : i32
      %add3A_237 = arith.constant 8 : i32
      %add3A_238 = arith.addi %mul3A_236, %add3A_237 : i32
      %get3A_239 = arith.index_cast %add3A_238 : i32 to index
      %get3A_240 = memref.load %arg7[%get3A_239] : memref<200xi32, #tpu.memory_space<smem>>
      %add3A_241 = arith.addi %add3A_232, %get3A_240 : i32
      %mul3A_242 = arith.muli %get3A_240, %get3A_240 : i32
      %add3A_243 = arith.addi %add3A_234, %mul3A_242 : i32
      %mul3A_244 = arith.constant 40 : i32
      %mul3A_245 = arith.muli %scan3A_160, %mul3A_244 : i32
      %add3A_246 = arith.constant 9 : i32
      %add3A_247 = arith.addi %mul3A_245, %add3A_246 : i32
      %get3A_248 = arith.index_cast %add3A_247 : i32 to index
      %get3A_249 = memref.load %arg7[%get3A_248] : memref<200xi32, #tpu.memory_space<smem>>
      %add3A_250 = arith.addi %add3A_241, %get3A_249 : i32
      %mul3A_251 = arith.muli %get3A_249, %get3A_249 : i32
      %add3A_252 = arith.addi %add3A_243, %mul3A_251 : i32
      %mul3A_253 = arith.constant 40 : i32
      %mul3A_254 = arith.muli %scan3A_160, %mul3A_253 : i32
      %add3A_255 = arith.constant 10 : i32
      %add3A_256 = arith.addi %mul3A_254, %add3A_255 : i32
      %get3A_257 = arith.index_cast %add3A_256 : i32 to index
      %get3A_258 = memref.load %arg7[%get3A_257] : memref<200xi32, #tpu.memory_space<smem>>
      %add3A_259 = arith.addi %add3A_250, %get3A_258 : i32
      %mul3A_260 = arith.muli %get3A_258, %get3A_258 : i32
      %add3A_261 = arith.addi %add3A_252, %mul3A_260 : i32
      %mul3A_262 = arith.constant 40 : i32
      %mul3A_263 = arith.muli %scan3A_160, %mul3A_262 : i32
      %add3A_264 = arith.constant 11 : i32
      %add3A_265 = arith.addi %mul3A_263, %add3A_264 : i32
      %get3A_266 = arith.index_cast %add3A_265 : i32 to index
      %get3A_267 = memref.load %arg7[%get3A_266] : memref<200xi32, #tpu.memory_space<smem>>
      %add3A_268 = arith.addi %add3A_259, %get3A_267 : i32
      %mul3A_269 = arith.muli %get3A_267, %get3A_267 : i32
      %add3A_270 = arith.addi %add3A_261, %mul3A_269 : i32
      %mul3A_271 = arith.constant 40 : i32
      %mul3A_272 = arith.muli %scan3A_160, %mul3A_271 : i32
      %add3A_273 = arith.constant 12 : i32
      %add3A_274 = arith.addi %mul3A_272, %add3A_273 : i32
      %get3A_275 = arith.index_cast %add3A_274 : i32 to index
      %get3A_276 = memref.load %arg7[%get3A_275] : memref<200xi32, #tpu.memory_space<smem>>
      %add3A_277 = arith.addi %add3A_268, %get3A_276 : i32
      %mul3A_278 = arith.muli %get3A_276, %get3A_276 : i32
      %add3A_279 = arith.addi %add3A_270, %mul3A_278 : i32
      %mul3A_280 = arith.constant 40 : i32
      %mul3A_281 = arith.muli %scan3A_160, %mul3A_280 : i32
      %add3A_282 = arith.constant 13 : i32
      %add3A_283 = arith.addi %mul3A_281, %add3A_282 : i32
      %get3A_284 = arith.index_cast %add3A_283 : i32 to index
      %get3A_285 = memref.load %arg7[%get3A_284] : memref<200xi32, #tpu.memory_space<smem>>
      %add3A_286 = arith.addi %add3A_277, %get3A_285 : i32
      %mul3A_287 = arith.muli %get3A_285, %get3A_285 : i32
      %add3A_288 = arith.addi %add3A_279, %mul3A_287 : i32
      %mul3A_289 = arith.constant 40 : i32
      %mul3A_290 = arith.muli %scan3A_160, %mul3A_289 : i32
      %add3A_291 = arith.constant 14 : i32
      %add3A_292 = arith.addi %mul3A_290, %add3A_291 : i32
      %get3A_293 = arith.index_cast %add3A_292 : i32 to index
      %get3A_294 = memref.load %arg7[%get3A_293] : memref<200xi32, #tpu.memory_space<smem>>
      %add3A_295 = arith.addi %add3A_286, %get3A_294 : i32
      %mul3A_296 = arith.muli %get3A_294, %get3A_294 : i32
      %add3A_297 = arith.addi %add3A_288, %mul3A_296 : i32
      %mul3A_298 = arith.constant 40 : i32
      %mul3A_299 = arith.muli %scan3A_160, %mul3A_298 : i32
      %add3A_300 = arith.constant 15 : i32
      %add3A_301 = arith.addi %mul3A_299, %add3A_300 : i32
      %get3A_302 = arith.index_cast %add3A_301 : i32 to index
      %get3A_303 = memref.load %arg7[%get3A_302] : memref<200xi32, #tpu.memory_space<smem>>
      %add3A_304 = arith.addi %add3A_295, %get3A_303 : i32
      %mul3A_305 = arith.muli %get3A_303, %get3A_303 : i32
      %add3A_306 = arith.addi %add3A_297, %mul3A_305 : i32
      %mul3A_307 = arith.constant 40 : i32
      %mul3A_308 = arith.muli %scan3A_160, %mul3A_307 : i32
      %add3A_309 = arith.constant 16 : i32
      %add3A_310 = arith.addi %mul3A_308, %add3A_309 : i32
      %get3A_311 = arith.index_cast %add3A_310 : i32 to index
      %get3A_312 = memref.load %arg7[%get3A_311] : memref<200xi32, #tpu.memory_space<smem>>
      %add3A_313 = arith.addi %add3A_304, %get3A_312 : i32
      %mul3A_314 = arith.muli %get3A_312, %get3A_312 : i32
      %add3A_315 = arith.addi %add3A_306, %mul3A_314 : i32
      %mul3A_316 = arith.constant 40 : i32
      %mul3A_317 = arith.muli %scan3A_160, %mul3A_316 : i32
      %add3A_318 = arith.constant 17 : i32
      %add3A_319 = arith.addi %mul3A_317, %add3A_318 : i32
      %get3A_320 = arith.index_cast %add3A_319 : i32 to index
      %get3A_321 = memref.load %arg7[%get3A_320] : memref<200xi32, #tpu.memory_space<smem>>
      %add3A_322 = arith.addi %add3A_313, %get3A_321 : i32
      %mul3A_323 = arith.muli %get3A_321, %get3A_321 : i32
      %add3A_324 = arith.addi %add3A_315, %mul3A_323 : i32
      %mul3A_325 = arith.constant 40 : i32
      %mul3A_326 = arith.muli %scan3A_160, %mul3A_325 : i32
      %add3A_327 = arith.constant 18 : i32
      %add3A_328 = arith.addi %mul3A_326, %add3A_327 : i32
      %get3A_329 = arith.index_cast %add3A_328 : i32 to index
      %get3A_330 = memref.load %arg7[%get3A_329] : memref<200xi32, #tpu.memory_space<smem>>
      %add3A_331 = arith.addi %add3A_322, %get3A_330 : i32
      %mul3A_332 = arith.muli %get3A_330, %get3A_330 : i32
      %add3A_333 = arith.addi %add3A_324, %mul3A_332 : i32
      %mul3A_334 = arith.constant 40 : i32
      %mul3A_335 = arith.muli %scan3A_160, %mul3A_334 : i32
      %add3A_336 = arith.constant 19 : i32
      %add3A_337 = arith.addi %mul3A_335, %add3A_336 : i32
      %get3A_338 = arith.index_cast %add3A_337 : i32 to index
      %get3A_339 = memref.load %arg7[%get3A_338] : memref<200xi32, #tpu.memory_space<smem>>
      %add3A_340 = arith.addi %add3A_331, %get3A_339 : i32
      %mul3A_341 = arith.muli %get3A_339, %get3A_339 : i32
      %add3A_342 = arith.addi %add3A_333, %mul3A_341 : i32
      %mul3A_343 = arith.constant 40 : i32
      %mul3A_344 = arith.muli %scan3A_160, %mul3A_343 : i32
      %add3A_345 = arith.constant 20 : i32
      %add3A_346 = arith.addi %mul3A_344, %add3A_345 : i32
      %get3A_347 = arith.index_cast %add3A_346 : i32 to index
      %get3A_348 = memref.load %arg7[%get3A_347] : memref<200xi32, #tpu.memory_space<smem>>
      %add3A_349 = arith.addi %add3A_340, %get3A_348 : i32
      %mul3A_350 = arith.muli %get3A_348, %get3A_348 : i32
      %add3A_351 = arith.addi %add3A_342, %mul3A_350 : i32
      %mul3A_352 = arith.constant 40 : i32
      %mul3A_353 = arith.muli %scan3A_160, %mul3A_352 : i32
      %add3A_354 = arith.constant 21 : i32
      %add3A_355 = arith.addi %mul3A_353, %add3A_354 : i32
      %get3A_356 = arith.index_cast %add3A_355 : i32 to index
      %get3A_357 = memref.load %arg7[%get3A_356] : memref<200xi32, #tpu.memory_space<smem>>
      %add3A_358 = arith.addi %add3A_349, %get3A_357 : i32
      %mul3A_359 = arith.muli %get3A_357, %get3A_357 : i32
      %add3A_360 = arith.addi %add3A_351, %mul3A_359 : i32
      %mul3A_361 = arith.constant 40 : i32
      %mul3A_362 = arith.muli %scan3A_160, %mul3A_361 : i32
      %add3A_363 = arith.constant 22 : i32
      %add3A_364 = arith.addi %mul3A_362, %add3A_363 : i32
      %get3A_365 = arith.index_cast %add3A_364 : i32 to index
      %get3A_366 = memref.load %arg7[%get3A_365] : memref<200xi32, #tpu.memory_space<smem>>
      %add3A_367 = arith.addi %add3A_358, %get3A_366 : i32
      %mul3A_368 = arith.muli %get3A_366, %get3A_366 : i32
      %add3A_369 = arith.addi %add3A_360, %mul3A_368 : i32
      %mul3A_370 = arith.constant 40 : i32
      %mul3A_371 = arith.muli %scan3A_160, %mul3A_370 : i32
      %add3A_372 = arith.constant 23 : i32
      %add3A_373 = arith.addi %mul3A_371, %add3A_372 : i32
      %get3A_374 = arith.index_cast %add3A_373 : i32 to index
      %get3A_375 = memref.load %arg7[%get3A_374] : memref<200xi32, #tpu.memory_space<smem>>
      %add3A_376 = arith.addi %add3A_367, %get3A_375 : i32
      %mul3A_377 = arith.muli %get3A_375, %get3A_375 : i32
      %add3A_378 = arith.addi %add3A_369, %mul3A_377 : i32
      %mul3A_379 = arith.constant 40 : i32
      %mul3A_380 = arith.muli %scan3A_160, %mul3A_379 : i32
      %add3A_381 = arith.constant 24 : i32
      %add3A_382 = arith.addi %mul3A_380, %add3A_381 : i32
      %get3A_383 = arith.index_cast %add3A_382 : i32 to index
      %get3A_384 = memref.load %arg7[%get3A_383] : memref<200xi32, #tpu.memory_space<smem>>
      %add3A_385 = arith.addi %add3A_376, %get3A_384 : i32
      %mul3A_386 = arith.muli %get3A_384, %get3A_384 : i32
      %add3A_387 = arith.addi %add3A_378, %mul3A_386 : i32
      %mul3A_388 = arith.constant 40 : i32
      %mul3A_389 = arith.muli %scan3A_160, %mul3A_388 : i32
      %add3A_390 = arith.constant 25 : i32
      %add3A_391 = arith.addi %mul3A_389, %add3A_390 : i32
      %get3A_392 = arith.index_cast %add3A_391 : i32 to index
      %get3A_393 = memref.load %arg7[%get3A_392] : memref<200xi32, #tpu.memory_space<smem>>
      %add3A_394 = arith.addi %add3A_385, %get3A_393 : i32
      %mul3A_395 = arith.muli %get3A_393, %get3A_393 : i32
      %add3A_396 = arith.addi %add3A_387, %mul3A_395 : i32
      %mul3A_397 = arith.constant 40 : i32
      %mul3A_398 = arith.muli %scan3A_160, %mul3A_397 : i32
      %add3A_399 = arith.constant 26 : i32
      %add3A_400 = arith.addi %mul3A_398, %add3A_399 : i32
      %get3A_401 = arith.index_cast %add3A_400 : i32 to index
      %get3A_402 = memref.load %arg7[%get3A_401] : memref<200xi32, #tpu.memory_space<smem>>
      %add3A_403 = arith.addi %add3A_394, %get3A_402 : i32
      %mul3A_404 = arith.muli %get3A_402, %get3A_402 : i32
      %add3A_405 = arith.addi %add3A_396, %mul3A_404 : i32
      %mul3A_406 = arith.constant 40 : i32
      %mul3A_407 = arith.muli %scan3A_160, %mul3A_406 : i32
      %add3A_408 = arith.constant 27 : i32
      %add3A_409 = arith.addi %mul3A_407, %add3A_408 : i32
      %get3A_410 = arith.index_cast %add3A_409 : i32 to index
      %get3A_411 = memref.load %arg7[%get3A_410] : memref<200xi32, #tpu.memory_space<smem>>
      %add3A_412 = arith.addi %add3A_403, %get3A_411 : i32
      %mul3A_413 = arith.muli %get3A_411, %get3A_411 : i32
      %add3A_414 = arith.addi %add3A_405, %mul3A_413 : i32
      %mul3A_415 = arith.constant 40 : i32
      %mul3A_416 = arith.muli %scan3A_160, %mul3A_415 : i32
      %add3A_417 = arith.constant 28 : i32
      %add3A_418 = arith.addi %mul3A_416, %add3A_417 : i32
      %get3A_419 = arith.index_cast %add3A_418 : i32 to index
      %get3A_420 = memref.load %arg7[%get3A_419] : memref<200xi32, #tpu.memory_space<smem>>
      %add3A_421 = arith.addi %add3A_412, %get3A_420 : i32
      %mul3A_422 = arith.muli %get3A_420, %get3A_420 : i32
      %add3A_423 = arith.addi %add3A_414, %mul3A_422 : i32
      %mul3A_424 = arith.constant 40 : i32
      %mul3A_425 = arith.muli %scan3A_160, %mul3A_424 : i32
      %add3A_426 = arith.constant 29 : i32
      %add3A_427 = arith.addi %mul3A_425, %add3A_426 : i32
      %get3A_428 = arith.index_cast %add3A_427 : i32 to index
      %get3A_429 = memref.load %arg7[%get3A_428] : memref<200xi32, #tpu.memory_space<smem>>
      %add3A_430 = arith.addi %add3A_421, %get3A_429 : i32
      %mul3A_431 = arith.muli %get3A_429, %get3A_429 : i32
      %add3A_432 = arith.addi %add3A_423, %mul3A_431 : i32
      %mul3A_433 = arith.constant 40 : i32
      %mul3A_434 = arith.muli %scan3A_160, %mul3A_433 : i32
      %add3A_435 = arith.constant 30 : i32
      %add3A_436 = arith.addi %mul3A_434, %add3A_435 : i32
      %get3A_437 = arith.index_cast %add3A_436 : i32 to index
      %get3A_438 = memref.load %arg7[%get3A_437] : memref<200xi32, #tpu.memory_space<smem>>
      %add3A_439 = arith.addi %add3A_430, %get3A_438 : i32
      %mul3A_440 = arith.muli %get3A_438, %get3A_438 : i32
      %add3A_441 = arith.addi %add3A_432, %mul3A_440 : i32
      %mul3A_442 = arith.constant 40 : i32
      %mul3A_443 = arith.muli %scan3A_160, %mul3A_442 : i32
      %add3A_444 = arith.constant 31 : i32
      %add3A_445 = arith.addi %mul3A_443, %add3A_444 : i32
      %get3A_446 = arith.index_cast %add3A_445 : i32 to index
      %get3A_447 = memref.load %arg7[%get3A_446] : memref<200xi32, #tpu.memory_space<smem>>
      %add3A_448 = arith.addi %add3A_439, %get3A_447 : i32
      %mul3A_449 = arith.muli %get3A_447, %get3A_447 : i32
      %add3A_450 = arith.addi %add3A_441, %mul3A_449 : i32
      %mul3A_451 = arith.constant 40 : i32
      %mul3A_452 = arith.muli %scan3A_160, %mul3A_451 : i32
      %add3A_453 = arith.constant 32 : i32
      %add3A_454 = arith.addi %mul3A_452, %add3A_453 : i32
      %get3A_455 = arith.index_cast %add3A_454 : i32 to index
      %get3A_456 = memref.load %arg7[%get3A_455] : memref<200xi32, #tpu.memory_space<smem>>
      %add3A_457 = arith.addi %add3A_448, %get3A_456 : i32
      %mul3A_458 = arith.muli %get3A_456, %get3A_456 : i32
      %add3A_459 = arith.addi %add3A_450, %mul3A_458 : i32
      %mul3A_460 = arith.constant 40 : i32
      %mul3A_461 = arith.muli %scan3A_160, %mul3A_460 : i32
      %add3A_462 = arith.constant 33 : i32
      %add3A_463 = arith.addi %mul3A_461, %add3A_462 : i32
      %get3A_464 = arith.index_cast %add3A_463 : i32 to index
      %get3A_465 = memref.load %arg7[%get3A_464] : memref<200xi32, #tpu.memory_space<smem>>
      %add3A_466 = arith.addi %add3A_457, %get3A_465 : i32
      %mul3A_467 = arith.muli %get3A_465, %get3A_465 : i32
      %add3A_468 = arith.addi %add3A_459, %mul3A_467 : i32
      %mul3A_469 = arith.constant 40 : i32
      %mul3A_470 = arith.muli %scan3A_160, %mul3A_469 : i32
      %add3A_471 = arith.constant 34 : i32
      %add3A_472 = arith.addi %mul3A_470, %add3A_471 : i32
      %get3A_473 = arith.index_cast %add3A_472 : i32 to index
      %get3A_474 = memref.load %arg7[%get3A_473] : memref<200xi32, #tpu.memory_space<smem>>
      %add3A_475 = arith.addi %add3A_466, %get3A_474 : i32
      %mul3A_476 = arith.muli %get3A_474, %get3A_474 : i32
      %add3A_477 = arith.addi %add3A_468, %mul3A_476 : i32
      %mul3A_478 = arith.constant 40 : i32
      %mul3A_479 = arith.muli %scan3A_160, %mul3A_478 : i32
      %add3A_480 = arith.constant 35 : i32
      %add3A_481 = arith.addi %mul3A_479, %add3A_480 : i32
      %get3A_482 = arith.index_cast %add3A_481 : i32 to index
      %get3A_483 = memref.load %arg7[%get3A_482] : memref<200xi32, #tpu.memory_space<smem>>
      %add3A_484 = arith.addi %add3A_475, %get3A_483 : i32
      %mul3A_485 = arith.muli %get3A_483, %get3A_483 : i32
      %add3A_486 = arith.addi %add3A_477, %mul3A_485 : i32
      %mul3A_487 = arith.constant 40 : i32
      %mul3A_488 = arith.muli %scan3A_160, %mul3A_487 : i32
      %add3A_489 = arith.constant 36 : i32
      %add3A_490 = arith.addi %mul3A_488, %add3A_489 : i32
      %get3A_491 = arith.index_cast %add3A_490 : i32 to index
      %get3A_492 = memref.load %arg7[%get3A_491] : memref<200xi32, #tpu.memory_space<smem>>
      %add3A_493 = arith.addi %add3A_484, %get3A_492 : i32
      %mul3A_494 = arith.muli %get3A_492, %get3A_492 : i32
      %add3A_495 = arith.addi %add3A_486, %mul3A_494 : i32
      %mul3A_496 = arith.constant 40 : i32
      %mul3A_497 = arith.muli %scan3A_160, %mul3A_496 : i32
      %add3A_498 = arith.constant 37 : i32
      %add3A_499 = arith.addi %mul3A_497, %add3A_498 : i32
      %get3A_500 = arith.index_cast %add3A_499 : i32 to index
      %get3A_501 = memref.load %arg7[%get3A_500] : memref<200xi32, #tpu.memory_space<smem>>
      %add3A_502 = arith.addi %add3A_493, %get3A_501 : i32
      %mul3A_503 = arith.muli %get3A_501, %get3A_501 : i32
      %add3A_504 = arith.addi %add3A_495, %mul3A_503 : i32
      %mul3A_505 = arith.constant 40 : i32
      %mul3A_506 = arith.muli %scan3A_160, %mul3A_505 : i32
      %add3A_507 = arith.constant 38 : i32
      %add3A_508 = arith.addi %mul3A_506, %add3A_507 : i32
      %get3A_509 = arith.index_cast %add3A_508 : i32 to index
      %get3A_510 = memref.load %arg7[%get3A_509] : memref<200xi32, #tpu.memory_space<smem>>
      %add3A_511 = arith.addi %add3A_502, %get3A_510 : i32
      %mul3A_512 = arith.muli %get3A_510, %get3A_510 : i32
      %add3A_513 = arith.addi %add3A_504, %mul3A_512 : i32
      %mul3A_514 = arith.constant 40 : i32
      %mul3A_515 = arith.muli %scan3A_160, %mul3A_514 : i32
      %add3A_516 = arith.constant 39 : i32
      %add3A_517 = arith.addi %mul3A_515, %add3A_516 : i32
      %get3A_518 = arith.index_cast %add3A_517 : i32 to index
      %get3A_519 = memref.load %arg7[%get3A_518] : memref<200xi32, #tpu.memory_space<smem>>
      %add3A_520 = arith.addi %add3A_511, %get3A_519 : i32
      %mul3A_521 = arith.muli %get3A_519, %get3A_519 : i32
      %add3A_522 = arith.addi %add3A_513, %mul3A_521 : i32
      scf.yield %add3A_520, %add3A_522 : i32, i32
    }
    %scan3A_6 = arith.constant 5 : i32
    tpu.wait_dma2 semaphore(%arg14 : memref<!tpu.dma_semaphore, #tpu.memory_space<semaphore_mem>>) src(%arg2 : memref<1x2xf32, #tpu.memory_space<hbm>>) dst(%arg8 : memref<1x2xf32, #tpu.memory_space<smem>>)
    tpu.wait_dma2 semaphore(%arg14 : memref<!tpu.dma_semaphore, #tpu.memory_space<semaphore_mem>>) src(%arg3 : memref<3x2xf32, #tpu.memory_space<hbm>>) dst(%arg9 : memref<3x2xf32, #tpu.memory_space<smem>>)
    tpu.wait_dma2 semaphore(%arg14 : memref<!tpu.dma_semaphore, #tpu.memory_space<semaphore_mem>>) src(%arg4 : memref<2x2xf32, #tpu.memory_space<hbm>>) dst(%arg10 : memref<2x2xf32, #tpu.memory_space<smem>>)
    tpu.wait_dma2 semaphore(%arg14 : memref<!tpu.dma_semaphore, #tpu.memory_space<semaphore_mem>>) src(%arg5 : memref<1x4xf32, #tpu.memory_space<hbm>>) dst(%arg11 : memref<1x4xf32, #tpu.memory_space<smem>>)
    %convert_element_type3A = arith.sitofp %scan3A_5#0 : i32 to f32
    %convert_element_type3A_7 = arith.sitofp %scan3A_5#1 : i32 to f32
    %sub3A = arith.subf %convert_element_type3A_7, %convert_element_type3A : f32
    %mul3A = arith.constant 5.000000e-01 : f32
    %mul3A_8 = arith.mulf %sub3A, %mul3A : f32
    %mul3A_9 = arith.constant 2.000000e+00 : f32
    %mul3A_10 = arith.mulf %mul3A_9, %convert_element_type3A : f32
    %sub3A_11 = arith.subf %mul3A_10, %convert_element_type3A_7 : f32
    %sub3A_12 = arith.constant 2.000000e+02 : f32
    %sub3A_13 = arith.subf %sub3A_12, %sub3A_11 : f32
    %sub3A_14 = arith.subf %sub3A_13, %mul3A_8 : f32
    %get3A = arith.constant 0 : i32
    %get3A_15 = arith.constant 0 : i32
    %get3A_16 = arith.index_cast %get3A : i32 to index
    %get3A_17 = arith.index_cast %get3A_15 : i32 to index
    %get3A_18 = memref.load %arg9[%get3A_16, %get3A_17] : memref<3x2xf32, #tpu.memory_space<smem>>
    %mul3A_19 = arith.mulf %sub3A_14, %get3A_18 : f32
    %add3A = arith.constant 0.000000e+00 : f32
    %add3A_20 = arith.addf %add3A, %mul3A_19 : f32
    %get3A_21 = arith.constant 1 : i32
    %get3A_22 = arith.constant 0 : i32
    %get3A_23 = arith.index_cast %get3A_21 : i32 to index
    %get3A_24 = arith.index_cast %get3A_22 : i32 to index
    %get3A_25 = memref.load %arg9[%get3A_23, %get3A_24] : memref<3x2xf32, #tpu.memory_space<smem>>
    %mul3A_26 = arith.mulf %sub3A_11, %get3A_25 : f32
    %add3A_27 = arith.addf %add3A_20, %mul3A_26 : f32
    %get3A_28 = arith.constant 2 : i32
    %get3A_29 = arith.constant 0 : i32
    %get3A_30 = arith.index_cast %get3A_28 : i32 to index
    %get3A_31 = arith.index_cast %get3A_29 : i32 to index
    %get3A_32 = memref.load %arg9[%get3A_30, %get3A_31] : memref<3x2xf32, #tpu.memory_space<smem>>
    %mul3A_33 = arith.mulf %mul3A_8, %get3A_32 : f32
    %add3A_34 = arith.addf %add3A_27, %mul3A_33 : f32
    %mul3A_35 = arith.constant 5.000000e-03 : f32
    %mul3A_36 = arith.mulf %add3A_34, %mul3A_35 : f32
    %get3A_37 = arith.constant 0 : i32
    %get3A_38 = arith.constant 1 : i32
    %get3A_39 = arith.index_cast %get3A_37 : i32 to index
    %get3A_40 = arith.index_cast %get3A_38 : i32 to index
    %get3A_41 = memref.load %arg9[%get3A_39, %get3A_40] : memref<3x2xf32, #tpu.memory_space<smem>>
    %mul3A_42 = arith.mulf %sub3A_14, %get3A_41 : f32
    %add3A_43 = arith.constant 0.000000e+00 : f32
    %add3A_44 = arith.addf %add3A_43, %mul3A_42 : f32
    %get3A_45 = arith.constant 1 : i32
    %get3A_46 = arith.constant 1 : i32
    %get3A_47 = arith.index_cast %get3A_45 : i32 to index
    %get3A_48 = arith.index_cast %get3A_46 : i32 to index
    %get3A_49 = memref.load %arg9[%get3A_47, %get3A_48] : memref<3x2xf32, #tpu.memory_space<smem>>
    %mul3A_50 = arith.mulf %sub3A_11, %get3A_49 : f32
    %add3A_51 = arith.addf %add3A_44, %mul3A_50 : f32
    %get3A_52 = arith.constant 2 : i32
    %get3A_53 = arith.constant 1 : i32
    %get3A_54 = arith.index_cast %get3A_52 : i32 to index
    %get3A_55 = arith.index_cast %get3A_53 : i32 to index
    %get3A_56 = memref.load %arg9[%get3A_54, %get3A_55] : memref<3x2xf32, #tpu.memory_space<smem>>
    %mul3A_57 = arith.mulf %mul3A_8, %get3A_56 : f32
    %add3A_58 = arith.addf %add3A_51, %mul3A_57 : f32
    %mul3A_59 = arith.constant 5.000000e-03 : f32
    %mul3A_60 = arith.mulf %add3A_58, %mul3A_59 : f32
    %mul3A_61 = arith.constant 2.000000e+00 : f32
    %mul3A_62 = arith.mulf %mul3A_61, %mul3A_36 : f32
    %mul3A_63 = arith.constant 2.000000e+00 : f32
    %mul3A_64 = arith.mulf %mul3A_63, %mul3A_60 : f32
    %get3A_65 = arith.constant 0 : i32
    %get3A_66 = arith.constant 0 : i32
    %get3A_67 = arith.index_cast %get3A_65 : i32 to index
    %get3A_68 = arith.index_cast %get3A_66 : i32 to index
    %get3A_69 = memref.load %arg8[%get3A_67, %get3A_68] : memref<1x2xf32, #tpu.memory_space<smem>>
    %mul3A_70 = arith.constant 6.553700e+04 : f32
    %mul3A_71 = arith.mulf %get3A_69, %mul3A_70 : f32
    %sub3A_72 = arith.subf %mul3A_71, %get3A_69 : f32
    %sub3A_73 = arith.subf %mul3A_71, %sub3A_72 : f32
    %get3A_74 = arith.constant 0 : i32
    %get3A_75 = arith.constant 1 : i32
    %get3A_76 = arith.index_cast %get3A_74 : i32 to index
    %get3A_77 = arith.index_cast %get3A_75 : i32 to index
    %get3A_78 = memref.load %arg8[%get3A_76, %get3A_77] : memref<1x2xf32, #tpu.memory_space<smem>>
    %mul3A_79 = arith.constant 6.553700e+04 : f32
    %mul3A_80 = arith.mulf %get3A_78, %mul3A_79 : f32
    %sub3A_81 = arith.subf %mul3A_80, %get3A_78 : f32
    %sub3A_82 = arith.subf %mul3A_80, %sub3A_81 : f32
    %get3A_83 = arith.constant 0 : i32
    %get3A_84 = arith.constant 0 : i32
    %get3A_85 = arith.index_cast %get3A_83 : i32 to index
    %get3A_86 = arith.index_cast %get3A_84 : i32 to index
    %get3A_87 = memref.load %arg10[%get3A_85, %get3A_86] : memref<2x2xf32, #tpu.memory_space<smem>>
    %mul3A_88 = arith.constant 6.553700e+04 : f32
    %mul3A_89 = arith.mulf %get3A_87, %mul3A_88 : f32
    %sub3A_90 = arith.subf %mul3A_89, %get3A_87 : f32
    %sub3A_91 = arith.subf %mul3A_89, %sub3A_90 : f32
    %mul3A_92 = arith.mulf %sub3A_73, %sub3A_91 : f32
    %add3A_93 = arith.constant 0.000000e+00 : f32
    %add3A_94 = arith.addf %add3A_93, %mul3A_92 : f32
    %get3A_95 = arith.constant 0 : i32
    %get3A_96 = arith.constant 1 : i32
    %get3A_97 = arith.index_cast %get3A_95 : i32 to index
    %get3A_98 = arith.index_cast %get3A_96 : i32 to index
    %get3A_99 = memref.load %arg10[%get3A_97, %get3A_98] : memref<2x2xf32, #tpu.memory_space<smem>>
    %mul3A_100 = arith.constant 6.553700e+04 : f32
    %mul3A_101 = arith.mulf %get3A_99, %mul3A_100 : f32
    %sub3A_102 = arith.subf %mul3A_101, %get3A_99 : f32
    %sub3A_103 = arith.subf %mul3A_101, %sub3A_102 : f32
    %mul3A_104 = arith.mulf %sub3A_82, %sub3A_103 : f32
    %add3A_105 = arith.addf %add3A_94, %mul3A_104 : f32
    %get3A_106 = arith.constant 1 : i32
    %get3A_107 = arith.constant 0 : i32
    %get3A_108 = arith.index_cast %get3A_106 : i32 to index
    %get3A_109 = arith.index_cast %get3A_107 : i32 to index
    %get3A_110 = memref.load %arg10[%get3A_108, %get3A_109] : memref<2x2xf32, #tpu.memory_space<smem>>
    %mul3A_111 = arith.constant 6.553700e+04 : f32
    %mul3A_112 = arith.mulf %get3A_110, %mul3A_111 : f32
    %sub3A_113 = arith.subf %mul3A_112, %get3A_110 : f32
    %sub3A_114 = arith.subf %mul3A_112, %sub3A_113 : f32
    %mul3A_115 = arith.mulf %sub3A_73, %sub3A_114 : f32
    %add3A_116 = arith.constant 0.000000e+00 : f32
    %add3A_117 = arith.addf %add3A_116, %mul3A_115 : f32
    %get3A_118 = arith.constant 1 : i32
    %get3A_119 = arith.constant 1 : i32
    %get3A_120 = arith.index_cast %get3A_118 : i32 to index
    %get3A_121 = arith.index_cast %get3A_119 : i32 to index
    %get3A_122 = memref.load %arg10[%get3A_120, %get3A_121] : memref<2x2xf32, #tpu.memory_space<smem>>
    %mul3A_123 = arith.constant 6.553700e+04 : f32
    %mul3A_124 = arith.mulf %get3A_122, %mul3A_123 : f32
    %sub3A_125 = arith.subf %mul3A_124, %get3A_122 : f32
    %sub3A_126 = arith.subf %mul3A_124, %sub3A_125 : f32
    %mul3A_127 = arith.mulf %sub3A_82, %sub3A_126 : f32
    %add3A_128 = arith.addf %add3A_117, %mul3A_127 : f32
    %get3A_129 = arith.constant 0 : i32
    %get3A_130 = arith.constant 0 : i32
    %get3A_131 = arith.index_cast %get3A_129 : i32 to index
    %get3A_132 = arith.index_cast %get3A_130 : i32 to index
    %get3A_133 = memref.load %arg11[%get3A_131, %get3A_132] : memref<1x4xf32, #tpu.memory_space<smem>>
    %mul3A_134 = arith.mulf %add3A_105, %get3A_133 : f32
    %get3A_135 = arith.constant 0 : i32
    %get3A_136 = arith.constant 1 : i32
    %get3A_137 = arith.index_cast %get3A_135 : i32 to index
    %get3A_138 = arith.index_cast %get3A_136 : i32 to index
    %get3A_139 = memref.load %arg11[%get3A_137, %get3A_138] : memref<1x4xf32, #tpu.memory_space<smem>>
    %mul3A_140 = arith.mulf %add3A_128, %get3A_139 : f32
    %add3A_141 = arith.addf %mul3A_134, %mul3A_140 : f32
    %get3A_142 = arith.constant 0 : i32
    %get3A_143 = arith.constant 2 : i32
    %get3A_144 = arith.index_cast %get3A_142 : i32 to index
    %get3A_145 = arith.index_cast %get3A_143 : i32 to index
    %get3A_146 = memref.load %arg11[%get3A_144, %get3A_145] : memref<1x4xf32, #tpu.memory_space<smem>>
    %mul3A_147 = arith.mulf %mul3A_62, %get3A_146 : f32
    %get3A_148 = arith.constant 0 : i32
    %get3A_149 = arith.constant 3 : i32
    %get3A_150 = arith.index_cast %get3A_148 : i32 to index
    %get3A_151 = arith.index_cast %get3A_149 : i32 to index
    %get3A_152 = memref.load %arg11[%get3A_150, %get3A_151] : memref<1x4xf32, #tpu.memory_space<smem>>
    %mul3A_153 = arith.mulf %mul3A_64, %get3A_152 : f32
    %add3A_154 = arith.addf %mul3A_147, %mul3A_153 : f32
    %add3A_155 = arith.addf %add3A_141, %add3A_154 : f32
    %swap3A = arith.constant 0 : i32
    %swap3A_156 = arith.constant 0 : i32
    %swap3A_157 = arith.index_cast %swap3A : i32 to index
    %swap3A_158 = arith.index_cast %swap3A_156 : i32 to index
    %swap3A_159 = memref.load %arg12[%swap3A_157, %swap3A_158] : memref<1x1xf32, #tpu.memory_space<smem>>
    memref.store %add3A_155, %arg12[%swap3A_157, %swap3A_158] : memref<1x1xf32, #tpu.memory_space<smem>>
    "tpu.region"() ({
      %run_scoped3A = tpu.sem_alloc : memref<!tpu.dma_semaphore, #tpu.memory_space<semaphore_mem>>
      tpu.enqueue_dma source(%arg12 : memref<1x1xf32, #tpu.memory_space<smem>>) target(%arg6 : memref<1x1xf32, #tpu.memory_space<hbm>>) target_semaphore(%run_scoped3A : memref<!tpu.dma_semaphore, #tpu.memory_space<semaphore_mem>>)
      tpu.wait_dma2 semaphore(%run_scoped3A : memref<!tpu.dma_semaphore, #tpu.memory_space<semaphore_mem>>) src(%arg12 : memref<1x1xf32, #tpu.memory_space<smem>>) dst(%arg6 : memref<1x1xf32, #tpu.memory_space<hbm>>)
      tpu.yield
    }) : () -> ()
    return
  }
}

</mosaic_0001>

<sc_bundles>
// kernel: kernel.3.cloned.1.call-start
scs
__scs_entry_jumppad:
0x0: {  	(pc) =	sbr.rel $0x88, $3  }
0x1: {  	(tag) =	ssettag $0x0;
	lr =	simm.s32 $0x1  }
0x2: {  	[smem:$0x3F9C] =	sst lr;
	_ =	strace $0xD0000000  }
0x3: {  	_ = 	snop  }
0x4: {  	_ = 	snop  }
0x5: {  	_ = 	snop  }
0x6: {  	_ = 	snop  }
0x7: {  	_ = 	snop  }
__scs_overlays_trampoline_lowered:
0x8: {  	[smem:$0x3FAB] =	sst s0  }
0x9: {  	[smem:$0x3FAC] =	sst s1  }
0xa: {  	[smem:$0x3FAD] =	sst s2  }
0xb: {  	[smem:$0x3FAE] =	sst s3  }
0xc: {  	[smem:$0x3FAF] =	sst s4  }
0xd: {  	[smem:$0x3FB0] =	sst s5  }
0xe: {  	[smem:$0x3FB1] =	sst s6  }
0xf: {  	[smem:$0x3FB2] =	sst s7  }
0x10: {  	[smem:$0x3FB3] =	sst s8  }
0x11: {  	[smem:$0x3FB4] =	sst s9;
	s0 =	simm.s32 @!p0 $0x0  }
0x12: {  	s1 =	sld [smem:$0x3F9A];
	s0 =	simm.s32 @p0 $0x1  }
0x13: {  	[smem:$0x3FB5] =	sst s0;
	s0 =	simm.s32 @!p1 $0x0  }
0x14: {  	s2 =	sld [smem:$0x3F99];
	s0 =	simm.s32 @p1 $0x1  }
0x15: {  	[smem:$0x3FB6] =	sst s0;
	s0 =	simm.s32 @!p2 $0x0  }
0x16: {  	s3 =	sld [smem:$0x3FDB];
	s0 =	simm.s32 @p2 $0x1  }
0x17: {  	s4 =	simm.s32 $0x1BF5;
	[smem:$0x3FB8] =	sst s0  }
0x18: {  	s0 =	sld [smem:$0x3F9B];
	_ =	swait.ge [sflag:s4], $0x0  }
0x19: {  	s7 =	sld [smem:$0x3F9C]  }
0x1a: {  	s8 =	sadd.s32 $0xFFFFE003, lr  }
0x1b: {  	s9 =	sadd.s32 $0xFFFFFEF7, lr;
	s5 =	simm.s32 $0xFFFFFFFF;
	p2 =	slt.u32 s8, $0xFFFFF086  }
0x1c: {  	p1 =	slt.u32 s9, $0xF7A;
	s5 =	simm.s32 @!p2 $0x0  }
0x1d: {  	s5 =	simm.s32 @p1 $0x1;
	p0 =	seq.s32 s7, s2  }
0x1e: {  	s7 =	smul.u32 @!p0 $0xF7A, s2;
	p2 =	seq.s32 @!p0 s5, $0x0  }
0x1f: {  	s9 =	smul.u32 $0xF7A, s1;
	s8 =	simm.s32 @!p0 $0x1BF5;
	p2 =	por !p2, p0  }
0x20: {  	[sflag:s8] =	ssyncset.s32 @!p0 $0xFFFFF086;
	s6 =	sadd.s32 @!p0 s3, s7;
	s7 =	simm.s32 @!p0 $0x108  }
0x21: {  	s3 =	sadd.s32 s3, s9;
	s6 =	sadd.s32 @!p0 $0x88, s6;
	s7 =	simm.s32 @p2 $0x1082  }
0x22: {  	[simem:s7], [sflag:s8] =	dma.local @!p0 [hbm:s6], $0xF7A  }
0x23: {  	s9 =	sor.u32 $0xD0000000, s2;
	s6 =	simm.s32 $0x108;
	_ =	swait.ge @!p0 [sflag:s8], $0x0  }
0x24: {  	s3 =	sadd.s32 $0x88, s3;
	s6 =	simm.s32 @!p1 $0x1082;
	[sflag:s4] =	ssyncset.s32 $0xFFFFF086  }
0x25: {  	[simem:s6], [sflag:s4] =	dma.local [hbm:s3], $0xF7A  }
0x26: {  	[smem:$0x3F9C] =	sst s1;
	(tag) =	ssettag s2;
	_ =	strace s9  }
0x27: {  	s1 =	sld [smem:$0x3FAC]  }
0x28: {  	s2 =	sld [smem:$0x3FAD]  }
0x29: {  	s4 =	sld [smem:$0x3FAF]  }
0x2a: {  	p0 =	seq.s32 s5, $0x0;
	s5 =	sld [smem:$0x3FB0]  }
0x2b: {  	s6 =	sld [smem:$0x3FB1]  }
0x2c: {  	s7 =	sld [smem:$0x3FB2]  }
0x2d: {  	s3 =	simm.s32 $0x108;
	s8 =	sld [smem:$0x3FB3]  }
0x2e: {  	s3 =	simm.s32 @!p0 $0x1082;
	s9 =	sld [smem:$0x3FB4]  }
0x2f: {  	lr =	sadd.s32 s0, s3;
	s0 =	sld [smem:$0x3FAB]  }
0x30: {  	s3 =	sld [smem:$0x3FAE]  }
0x31: {  	[smem:$0x3FB7] =	sst s10  }
0x32: {  	s10 =	sld [smem:$0x3FB5];
	_ =	sdelay $0x3  }
0x33: {  	p0 =	seq.s32 s10, $0x1;
	s10 =	sld [smem:$0x3FB7];
	_ =	sdelay $0x3  }
0x34: {  	[smem:$0x3FB7] =	sst s10  }
0x35: {  	s10 =	sld [smem:$0x3FB6];
	_ =	sdelay $0x3  }
0x36: {  	p1 =	seq.s32 s10, $0x1;
	s10 =	sld [smem:$0x3FB7];
	_ =	sdelay $0x3  }
0x37: {  	[smem:$0x3FB7] =	sst s10  }
0x38: {  	s10 =	sld [smem:$0x3FB8]  }
0x39: {  	_ = 	snop;
	(pc) =	sbr.ind lr, $3  }
0x3a: {  	_ = 	snop  }
0x3b: {  	_ = 	snop  }
0x3c: {  	p2 =	seq.s32 s10, $0x1;
	s10 =	sld [smem:$0x3FB7]  }
0x3d: {  	_ =	shalt  }
0x3e: {  	_ =	shalt  }
0x3f: {  	_ =	shalt  }
0x40: {  	_ =	shalt  }
0x41: {  	_ =	shalt  }
0x42: {  	_ =	shalt  }
0x43: {  	_ =	shalt  }
0x44: {  	_ =	shalt  }
0x45: {  	_ =	shalt  }
0x46: {  	_ =	shalt  }
0x47: {  	_ =	shalt  }
0x48: {  	_ =	shalt  }
0x49: {  	_ =	shalt  }
0x4a: {  	_ =	shalt  }
0x4b: {  	_ =	shalt  }
0x4c: {  	_ =	shalt  }
0x4d: {  	_ =	shalt  }
0x4e: {  	_ =	shalt  }
0x4f: {  	_ =	shalt  }
0x50: {  	_ =	shalt  }
0x51: {  	_ =	shalt  }
0x52: {  	_ =	shalt  }
0x53: {  	_ =	shalt  }
0x54: {  	_ =	shalt  }
0x55: {  	_ =	shalt  }
0x56: {  	_ =	shalt  }
0x57: {  	_ =	shalt  }
0x58: {  	_ =	shalt  }
0x59: {  	_ =	shalt  }
0x5a: {  	_ =	shalt  }
0x5b: {  	_ =	shalt  }
0x5c: {  	_ =	shalt  }
0x5d: {  	_ =	shalt  }
0x5e: {  	_ =	shalt  }
0x5f: {  	_ =	shalt  }
0x60: {  	_ =	shalt  }
0x61: {  	_ =	shalt  }
0x62: {  	_ =	shalt  }
0x63: {  	_ =	shalt  }
0x64: {  	_ =	shalt  }
0x65: {  	_ =	shalt  }
0x66: {  	_ =	shalt  }
0x67: {  	_ =	shalt  }
0x68: {  	_ =	shalt  }
0x69: {  	_ =	shalt  }
0x6a: {  	_ =	shalt  }
0x6b: {  	_ =	shalt  }
0x6c: {  	_ =	shalt  }
0x6d: {  	_ =	shalt  }
0x6e: {  	_ =	shalt  }
0x6f: {  	_ =	shalt  }
0x70: {  	_ =	shalt  }
0x71: {  	_ =	shalt  }
0x72: {  	_ =	shalt  }
0x73: {  	_ =	shalt  }
0x74: {  	_ =	shalt  }
0x75: {  	_ =	shalt  }
0x76: {  	_ =	shalt  }
0x77: {  	_ =	shalt  }
0x78: {  	_ =	shalt  }
0x79: {  	_ =	shalt  }
0x7a: {  	_ =	shalt  }
0x7b: {  	_ =	shalt  }
0x7c: {  	_ =	shalt  }
0x7d: {  	_ =	shalt  }
0x7e: {  	_ =	shalt  }
0x7f: {  	_ =	shalt  }
0x80: {  	_ =	shalt  }
0x81: {  	_ =	shalt  }
0x82: {  	_ =	shalt  }
0x83: {  	_ =	shalt  }
0x84: {  	_ =	shalt  }
0x85: {  	_ =	shalt  }
0x86: {  	_ =	shalt  }
0x87: {  	_ =	shalt  }
.Lfunc_end0:
.L_simem_size_0:
called_computation_lowered:
.L_overlay_start_0:
0x88: {  	s0 =	sld [smem:$0x3FD9]  }
0x89: {  	s1 =	sld [smem:$0x3FFE];
	_ =	sdelay $0x3  }
0x8a: {  	s0 =	sadd.s32 s1, s0  }
0x8b: {  	[smem:$0x3FC3] =	sst s0  }
0x8c: {  	_ = 	snop  }
0x8d: {  	s0 =	sld [smem:$0x3FC9]  }
0x8e: {  	s12 =	sld [smem:$0x3FC8]  }
0x8f: {  	s2 =	sld [smem:$0x3FC6]  }
0x90: {  	s3 =	sld [smem:$0x3FC5];
	(tm) =	ssettm $0x1  }
0x91: {  	s4 =	sld [smem:$0x3FFB];
	_ =	sdelay $0x3  }
0x92: {  	_ =	strace s4  }
0x93: {  	s4 =	sld [smem:$0x3FFC];
	_ =	sdelay $0x3  }
0x94: {  	_ =	strace s4  }
0x95: {  	s4 =	sld [smem:$0x3FFD];
	_ =	sdelay $0x3  }
0x96: {  	_ =	strace s4  }
0x97: {  	s13 =	simm.s32 $0x1B8B;
	_ =	strace $0x8FFFFFFF  }
0x98: {  	_ =	swait.ge [sflag:s13], $0x1  }
0x99: {  	s5 =	simm.s32 $0x1B8E;
	[sflag:s13] =	ssyncset.done $0x0  }
0x9a: {  	s15 =	simm.s32 $0x9;
	s14 =	sld [smem:$0x3FFE];
	[sflag:s13] =	ssyncadd.s32 $0xFFFFFFFF  }
0x9b: {  	s6 =	simm.s32 $0x10;
	s16 =	simm.s32 $0xA;
	[smem:$0x3FD2] =	sst s5  }
0x9c: {  	s17 =	simm.s32 $0x110;
	s19 =	simm.s32 $0x190;
	_ =	strace $0x80000046  }
0x9d: {  	[smem:s6], [sflag:s15] =	dma.local [hbm:s12], $0x20  }
0x9e: {  	s20 =	simm.s32 $0x390;
	s21 =	simm.s32 $0x490;
	s18 =	sadd.s32 $0x600, s14  }
0x9f: {  	[smem:s17], [sflag:s16] =	dma.local [hbm:s0], $0x10  }
0xa0: {  	[smem:s19], [sflag:s16] =	dma.local [hbm:s18], $0x30  }
0xa1: {  	[smem:s20], [sflag:s16] =	dma.local [hbm:s2], $0x20  }
0xa2: {  	[smem:s21], [sflag:s16] =	dma.local [hbm:s3], $0x10  }
0xa3: {  	_ =	swait.ge [sflag:s15], $0x20  }
0xa4: {  	[sflag:s15] =	ssyncset.done $0x0  }
0xa5: {  	[sflag:s15] =	ssyncadd.s32 $0xFFFFFFE0  }
0xa6: {  	s22 =	sld [smem:$0x33];
	_ =	sdelay $0x3  }
0xa7: {  	[dreg:$0x0] =	wrdreg s22  }
0xa8: {  	s8 =	sld [smem:$0x30]  }
0xa9: {  	s0 =	sld [smem:$0x20]  }
0xaa: {  	s23 =	sld [smem:$0x2F]  }
0xab: {  	s3 =	sld [smem:$0x18]  }
0xac: {  	s24 =	sld [smem:$0x15]  }
0xad: {  	s6 =	sld [smem:$0x1B]  }
0xae: {  	s25 =	sld [smem:$0x2B];
	_ =	sdelay $0x3  }
0xaf: {  	[dreg:$0x2] =	wrdreg s25  }
0xb0: {  	s9 =	sld [smem:$0x29]  }
0xb1: {  	s29 =	sld [smem:$0x28]  }
0xb2: {  	s1 =	sld [smem:$0x22]  }
0xb3: {  	s7 =	sld [smem:$0x19]  }
0xb4: {  	s2 =	sld [smem:$0x21]  }
0xb5: {  	s10 =	sld [smem:$0x1D]  }
0xb6: {  	s11 =	sld [smem:$0x17]  }
0xb7: {  	s12 =	sld [smem:$0x16]  }
0xb8: {  	s13 =	sld [smem:$0x14]  }
0xb9: {  	s14 =	sld [smem:$0x13]  }
0xba: {  	s15 =	sld [smem:$0x12]  }
0xbb: {  	s5 =	smul.u32 s23, s23;
	s16 =	sld [smem:$0x11]  }
0xbc: {  	s19 =	smul.u32 s6, s6;
	s17 =	sld [smem:$0x10]  }
0xbd: {  	[dreg:$0x3] =	wrdreg s8;
	s8 =	smul.u32 s8, s8  }
0xbe: {  	[dreg:$0x5] =	wrdreg s5;
	s5 =	smul.u32 s24, s24  }
0xbf: {  	s21 =	smul.u32 s13, s13  }
0xc0: {  	s26 =	smul.u32 s15, s15  }
0xc1: {  	s18 =	smul.u32 s17, s17;
	s17 =	sadd.s32 $0x0, s17  }
0xc2: {  	[dreg:$0x1] =	wrdreg s23;
	s20 =	smul.u32 s16, s16;
	s16 =	sadd.s32 s16, s17  }
0xc3: {  	[dreg:$0x4] =	wrdreg s8;
	s8 =	smul.u32 s7, s7;
	s15 =	sadd.s32 s15, s16  }
0xc4: {  	s17 =	sld [smem:$0x1F];
	s18 =	sadd.s32 $0x0, s18;
	s15 =	sadd.s32 s14, s15  }
0xc5: {  	s22 =	sadd.s32 s20, s18;
	s14 =	smul.u32 s14, s14;
	s18 =	smov.u32 s9  }
0xc6: {  	s9 =	sld [smem:$0x27];
	s15 =	sadd.s32 s13, s15;
	s13 =	smul.u32 s1, s1  }
0xc7: {  	s4 =	sadd.s32 s24, s15;
	s24 =	smul.u32 s12, s12  }
0xc8: {  	s15 =	sadd.s32 s26, s22;
	s22 =	smul.u32 s10, s10;
	s4 =	sadd.s32 s12, s4  }
0xc9: {  	s23 =	sld [smem:$0x1A];
	s4 =	sadd.s32 s11, s4;
	s11 =	smul.u32 s11, s11  }
0xca: {  	s26 =	sld [smem:$0x1C];
	s15 =	sadd.s32 s14, s15;
	s16 =	smul.u32 s9, s9  }
0xcb: {  	s15 =	sadd.s32 s21, s15;
	s4 =	sadd.s32 s3, s4;
	s3 =	smul.u32 s3, s3  }
0xcc: {  	s14 =	sld [smem:$0x1E];
	s25 =	sadd.s32 s5, s15;
	s15 =	smul.u32 s2, s2  }
0xcd: {  	s4 =	sadd.s32 s7, s4;
	s7 =	sadd.s32 s24, s25;
	s25 =	sld [smem:$0x2E]  }
0xce: {  	s12 =	smul.u32 s23, s23  }
0xcf: {  	s24 =	smul.u32 s0, s0;
	s7 =	sadd.s32 s11, s7;
	s4 =	sadd.s32 s23, s4  }
0xd0: {  	s5 =	smul.u32 s14, s14;
	s4 =	sadd.s32 s6, s4;
	s3 =	sadd.s32 s3, s7  }
0xd1: {  	s4 =	sadd.s32 s26, s4;
	s26 =	smul.u32 s26, s26;
	[dreg:$0x6] =	wrdreg s25  }
0xd2: {  	s3 =	sadd.s32 s8, s3;
	s4 =	sadd.s32 s10, s4;
	s31 =	sld [smem:$0x26]  }
0xd3: {  	s3 =	sadd.s32 s12, s3;
	s4 =	sadd.s32 s14, s4;
	s14 =	sld [smem:$0x23]  }
0xd4: {  	s7 =	smul.u32 s17, s17;
	s3 =	sadd.s32 s19, s3;
	[dreg:$0x7] =	wrdreg s9  }
0xd5: {  	s4 =	sadd.s32 s17, s4;
	s3 =	sadd.s32 s26, s3;
	s25 =	sld [smem:$0x24]  }
0xd6: {  	s17 =	smul.u32 s29, s29;
	s0 =	sadd.s32 s0, s4;
	s26 =	sadd.s32 s22, s3  }
0xd7: {  	s21 =	sld [smem:$0x25];
	s0 =	sadd.s32 s2, s0;
	s23 =	smul.u32 s31, s31  }
0xd8: {  	s0 =	sadd.s32 s1, s0;
	s22 =	sld [smem:$0x2A];
	s30 =	smul.u32 s14, s14  }
0xd9: {  	s28 =	smov.u32 s29;
	s0 =	sadd.s32 s14, s0;
	s2 =	smul.u32 s25, s25  }
0xda: {  	s10 =	simm.s32 $0x0;
	s3 =	sadd.s32 s25, s0;
	s0 =	smul.u32 s18, s18  }
0xdb: {  	s1 =	sadd.s32 s5, s26;
	s19 =	sld [smem:$0x2C];
	s4 =	smul.u32 s21, s21  }
0xdc: {  	s26 =	simm.s32 $0xA0;
	s20 =	sld [smem:$0x2D];
	s6 =	smul.u32 s22, s22  }
.LBB1_1:
0xdd: {  	s12 =	rddreg [dreg:$0x0]  }
0xde: {  	s11 =	sld [smem:s10+$0x35]  }
0xdf: {  	s29 =	rddreg [dreg:$0x2];
	s1 =	sadd.s32 s7, s1  }
0xe0: {  	s1 =	sadd.s32 s24, s1;
	s24 =	sld [smem:s10+$0x36]  }
0xe1: {  	s3 =	sadd.s32 s21, s3;
	s1 =	sadd.s32 s15, s1;
	s15 =	sld [smem:s10+$0x37]  }
0xe2: {  	s1 =	sadd.s32 s13, s1;
	s13 =	sld [smem:s10+$0x31];
	s21 =	smul.u32 s11, s11  }
0xe3: {  	s1 =	sadd.s32 s30, s1;
	s30 =	rddreg [dreg:$0x6]  }
0xe4: {  	[dreg:$0x11] =	wrdreg s21  }
0xe5: {  	s2 =	sadd.s32 s2, s1;
	[dreg:$0x12] =	wrdreg s15  }
0xe6: {  	s2 =	sadd.s32 s4, s2;
	s4 =	sld [smem:s10+$0x34];
	s15 =	smul.u32 s15, s15  }
0xe7: {  	s2 =	sadd.s32 s23, s2;
	s23 =	rddreg [dreg:$0x7]  }
0xe8: {  	[dreg:$0xb] =	wrdreg s15  }
0xe9: {  	s3 =	sadd.s32 s31, s3;
	s15 =	sld [smem:s10+$0x32];
	s10 =	smul.u32 s24, s24  }
0xea: {  	s2 =	sadd.s32 s16, s2;
	s3 =	sadd.s32 s23, s3;
	s23 =	rddreg [dreg:$0x1]  }
0xeb: {  	s7 =	smov.u32 s26;
	s2 =	sadd.s32 s17, s2;
	s17 =	rddreg [dreg:$0x5]  }
0xec: {  	[dreg:$0xd] =	wrdreg s10;
	s10 =	sshra.s32 s7, $0x2  }
0xed: {  	s0 =	sadd.s32 s0, s2;
	s2 =	sld [smem:s10+$0x33]  }
0xee: {  	s7 =	sadd.s32 s28, s3;
	s3 =	sld [smem:s10+$0x30]  }
0xef: {  	s0 =	sadd.s32 s6, s0;
	s6 =	sld [smem:s10+$0x18]  }
0xf0: {  	s14 =	smul.u32 s29, s29;
	s21 =	sld [smem:s10+$0x15]  }
0xf1: {  	s5 =	smul.u32 s19, s19;
	s1 =	sld [smem:s10+$0x1D]  }
0xf2: {  	s8 =	smul.u32 s20, s20;
	s0 =	sadd.s32 s14, s0;
	s14 =	sld [smem:s10+$0x20]  }
0xf3: {  	s0 =	sadd.s32 s5, s0;
	s5 =	sld [smem:s10+$0x2F]  }
0xf4: {  	s0 =	sadd.s32 s8, s0;
	s8 =	rddreg [dreg:$0x3]  }
0xf5: {  	[dreg:$0x0] =	wrdreg s2  }
0xf6: {  	s9 =	smul.u32 s30, s30;
	s2 =	sadd.s32 s18, s7;
	s18 =	rddreg [dreg:$0x4]  }
0xf7: {  	[dreg:$0xe] =	wrdreg s14  }
0xf8: {  	s0 =	sadd.s32 s9, s0;
	s2 =	sadd.s32 s22, s2;
	s22 =	sld [smem:s10+$0x1B]  }
0xf9: {  	s0 =	sadd.s32 s17, s0;
	s17 =	sld [smem:s10+$0x22]  }
0xfa: {  	s2 =	sadd.s32 s29, s2;
	s0 =	sadd.s32 s18, s0;
	s29 =	sld [smem:s10+$0x28]  }
0xfb: {  	s18 =	smov.u32 s3;
	s2 =	sadd.s32 s19, s2;
	s19 =	sld [smem:s10+$0x2B]  }
0xfc: {  	[dreg:$0x3] =	wrdreg s18;
	s2 =	sadd.s32 s20, s2  }
0xfd: {  	s20 =	smul.u32 s3, s3;
	s2 =	sadd.s32 s30, s2;
	s30 =	sld [smem:s10+$0x29]  }
0xfe: {  	s16 =	smul.u32 s13, s13;
	[dreg:$0xc] =	wrdreg s17  }
0xff: {  	[dreg:$0x4] =	wrdreg s20  }
0x100: {  	s7 =	sadd.s32 s16, s0;
	[dreg:$0x8] =	wrdreg s29  }
0x101: {  	s16 =	smul.u32 s22, s22;
	s0 =	sadd.s32 s23, s2;
	s29 =	sld [smem:s10+$0x21]  }
0x102: {  	s2 =	smul.u32 s5, s5;
	s20 =	smov.u32 s5;
	s5 =	sld [smem:s10+$0x14]  }
0x103: {  	[dreg:$0x2] =	wrdreg s19  }
0x104: {  	[dreg:$0x9] =	wrdreg s16  }
0x105: {  	[dreg:$0x1] =	wrdreg s20  }
0x106: {  	s16 =	sld [smem:s10+$0x13]  }
0x107: {  	s9 =	sadd.s32 s8, s0;
	s0 =	sld [smem:s10+$0x1A]  }
0x108: {  	s23 =	smul.u32 s21, s21;
	[dreg:$0x5] =	wrdreg s2  }
0x109: {  	s2 =	sld [smem:s10+$0x19]  }
0x10a: {  	s19 =	smul.u32 s15, s15;
	[dreg:$0x14] =	wrdreg s23  }
0x10b: {  	s8 =	sadd.s32 s13, s9;
	s9 =	sld [smem:s10+$0x16]  }
0x10c: {  	s13 =	smul.u32 s17, s17;
	s3 =	sadd.s32 s19, s7;
	s7 =	sld [smem:s10+$0x17]  }
0x10d: {  	s25 =	smov.u32 s12;
	s23 =	smul.u32 s1, s1;
	[dreg:$0x10] =	wrdreg s29  }
0x10e: {  	s12 =	smul.u32 s12, s25;
	[dreg:$0xa] =	wrdreg s13  }
0x10f: {  	[dreg:$0xf] =	wrdreg s23  }
0x110: {  	s17 =	sadd.s32 s12, s3;
	s12 =	sld [smem:s10+$0x12]  }
0x111: {  	s20 =	smul.u32 s29, s29;
	s29 =	sld [smem:s10+$0x11]  }
0x112: {  	s19 =	sadd.s32 s15, s8;
	s13 =	sld [smem:s10+$0x10]  }
0x113: {  	s14 =	smul.u32 s4, s4;
	s3 =	sadd.s32 s25, s19;
	s25 =	rddreg [dreg:$0x12]  }
0x114: {  	s23 =	sld [smem:s10+$0x27]  }
0x115: {  	s3 =	sadd.s32 s4, s3;
	s8 =	sadd.s32 s14, s17;
	s17 =	rddreg [dreg:$0xd]  }
0x116: {  	s31 =	sadd.s32 s11, s3;
	s11 =	rddreg [dreg:$0x11]  }
0x117: {  	s18 =	smul.u32 s2, s2;
	s8 =	sadd.s32 s11, s8;
	s11 =	sld [smem:s10+$0x1C]  }
0x118: {  	s28 =	sadd.s32 s24, s31;
	s31 =	sld [smem:s10+$0x26]  }
0x119: {  	s15 =	smul.u32 s5, s5;
	[dreg:$0x13] =	wrdreg s18  }
0x11a: {  	s19 =	smul.u32 s6, s6;
	s24 =	sadd.s32 s25, s28;
	s28 =	sld [smem:s10+$0x1F]  }
0x11b: {  	p0 =	sne.s32 s26, $0x280;
	s14 =	smul.u32 s16, s16;
	s25 =	rddreg [dreg:$0xb]  }
0x11c: {  	s26 =	sadd.s32 $0xA0, s26;
	s3 =	smul.u32 s9, s9;
	[dreg:$0x7] =	wrdreg s23  }
0x11d: {  	s8 =	sadd.s32 s17, s8;
	s17 =	smul.u32 s23, s23;
	s23 =	sld [smem:s10+$0x2E]  }
0x11e: {  	s24 =	sadd.s32 s24, s13;
	s8 =	sadd.s32 s25, s8;
	s25 =	smul.u32 s29, s29  }
0x11f: {  	s13 =	smul.u32 s13, s13;
	s24 =	sadd.s32 s29, s24;
	s29 =	sld [smem:s10+$0x1E]  }
0x120: {  	s18 =	smul.u32 s12, s12;
	s24 =	sadd.s32 s12, s24;
	s12 =	sld [smem:s10+$0x23]  }
0x121: {  	s4 =	smul.u32 s7, s7;
	s8 =	sadd.s32 s8, s13;
	[dreg:$0x6] =	wrdreg s23  }
0x122: {  	s24 =	sadd.s32 s16, s24;
	s16 =	rddreg [dreg:$0xe];
	s23 =	smul.u32 s31, s31  }
0x123: {  	s8 =	sadd.s32 s25, s8;
	s25 =	smul.u32 s0, s0;
	s5 =	sadd.s32 s5, s24  }
0x124: {  	s24 =	smul.u32 s16, s16;
	s8 =	sadd.s32 s18, s8;
	s18 =	smov.u32 s30  }
0x125: {  	s5 =	sadd.s32 s21, s5;
	s13 =	smul.u32 s29, s29;
	s21 =	sld [smem:s10+$0x25]  }
0x126: {  	s14 =	sadd.s32 s14, s8;
	s5 =	sadd.s32 s9, s5;
	s9 =	sld [smem:s10+$0x24]  }
0x127: {  	s30 =	smul.u32 s12, s12;
	s5 =	sadd.s32 s7, s5;
	s7 =	sadd.s32 s15, s14  }
0x128: {  	s15 =	smov.u32 s20;
	s20 =	rddreg [dreg:$0x14];
	s5 =	sadd.s32 s6, s5  }
0x129: {  	s6 =	smul.u32 s11, s11;
	s2 =	sadd.s32 s2, s5;
	s5 =	sadd.s32 s20, s7  }
0x12a: {  	s20 =	rddreg [dreg:$0x10];
	s2 =	sadd.s32 s0, s2;
	s3 =	sadd.s32 s3, s5  }
0x12b: {  	s22 =	sadd.s32 s22, s2;
	s2 =	smul.u32 s9, s9;
	s3 =	sadd.s32 s4, s3  }
0x12c: {  	s4 =	smul.u32 s21, s21;
	s5 =	sadd.s32 s11, s22;
	s22 =	sld [smem:s10+$0x2A]  }
0x12d: {  	s3 =	sadd.s32 s19, s3;
	s11 =	rddreg [dreg:$0x13];
	s7 =	sadd.s32 s1, s5  }
0x12e: {  	s19 =	rddreg [dreg:$0x9];
	s1 =	sadd.s32 s11, s3;
	s0 =	sadd.s32 s29, s7  }
0x12f: {  	s7 =	smul.u32 s28, s28;
	s1 =	sadd.s32 s25, s1;
	s25 =	rddreg [dreg:$0xc]  }
0x130: {  	s29 =	rddreg [dreg:$0xf];
	s14 =	sadd.s32 s28, s0;
	s0 =	smul.u32 s18, s18  }
0x131: {  	s1 =	sadd.s32 s19, s1;
	s19 =	sld [smem:s10+$0x2C];
	s3 =	sadd.s32 s16, s14  }
0x132: {  	s16 =	smov.u32 s17;
	s1 =	sadd.s32 s6, s1;
	s6 =	smul.u32 s22, s22  }
.Ltmp0:
0x133: {  	s17 =	rddreg [dreg:$0x8];
	s3 =	sadd.s32 s20, s3;
	(pc) =	sbr.rel @p0 .LBB1_1-.Ltmp0, $3  }
0x134: {  	s28 =	smov.u32 s17;
	s17 =	smul.u32 s17, s17;
	s3 =	sadd.s32 s25, s3  }
0x135: {  	s1 =	sadd.s32 s29, s1;
	s20 =	sld [smem:s10+$0x2D];
	s3 =	sadd.s32 s12, s3  }
0x136: {  	s1 =	sadd.s32 s13, s1;
	s13 =	rddreg [dreg:$0xa];
	s3 =	sadd.s32 s9, s3  }
0x137: {  	s5 =	rddreg [dreg:$0x2]  }
0x138: {  	s1 =	sadd.s32 s7, s1;
	s25 =	rddreg [dreg:$0x6]  }
0x139: {  	s29 =	sld [smem:s10+$0x32];
	s1 =	sadd.s32 s24, s1  }
0x13a: {  	s8 =	rddreg [dreg:$0x4];
	s1 =	sadd.s32 s15, s1  }
0x13b: {  	s9 =	rddreg [dreg:$0x1];
	s1 =	sadd.s32 s13, s1  }
0x13c: {  	s11 =	sld [smem:s10+$0x36];
	s1 =	sadd.s32 s30, s1  }
0x13d: {  	s12 =	rddreg [dreg:$0x3];
	s26 =	smul.u32 s25, s25;
	s1 =	sadd.s32 s2, s1  }
0x13e: {  	s15 =	sadd.s32 s21, s3;
	s21 =	smul.u32 s5, s5;
	s1 =	sadd.s32 s4, s1  }
0x13f: {  	s24 =	smul.u32 s20, s20;
	s30 =	rddreg [dreg:$0x5];
	s1 =	sadd.s32 s23, s1  }
0x140: {  	s2 =	sadd.s32 s31, s15;
	s1 =	sadd.s32 s16, s1;
	s16 =	rddreg [dreg:$0x7]  }
0x141: {  	s13 =	smul.u32 s29, s29;
	s1 =	sadd.s32 s17, s1;
	s2 =	sadd.s32 s16, s2  }
0x142: {  	s31 =	sld [smem:s10+$0x37];
	s0 =	sadd.s32 s0, s1;
	s17 =	sadd.s32 s28, s2  }
0x143: {  	s23 =	smul.u32 s19, s19;
	s0 =	sadd.s32 s6, s0;
	s1 =	sadd.s32 s18, s17  }
0x144: {  	s28 =	sld [smem:s10+$0x31];
	s0 =	sadd.s32 s21, s0;
	s1 =	sadd.s32 s22, s1  }
0x145: {  	s15 =	sld [smem:s10+$0x34];
	s0 =	sadd.s32 s23, s0;
	s1 =	sadd.s32 s5, s1  }
0x146: {  	s16 =	smul.u32 s31, s31;
	s0 =	sadd.s32 s24, s0;
	s1 =	sadd.s32 s19, s1  }
0x147: {  	s17 =	simm.s32 $0xA;
	s0 =	sadd.s32 s26, s0;
	s1 =	sadd.s32 s20, s1  }
0x148: {  	s7 =	smul.u32 s28, s28;
	s0 =	sadd.s32 s30, s0;
	s1 =	sadd.s32 s25, s1  }
0x149: {  	s0 =	sadd.s32 s8, s0;
	s1 =	sadd.s32 s9, s1;
	s9 =	rddreg [dreg:$0x0]  }
0x14a: {  	s8 =	sld [smem:s10+$0x35];
	_ =	swait.ge [sflag:s17], $0x10;
	s1 =	sadd.s32 s12, s1  }
0x14b: {  	s0 =	sadd.s32 s7, s0;
	[sflag:s17] =	ssyncset.done $0x0;
	s1 =	sadd.s32 s28, s1  }
0x14c: {  	s14 =	smul.u32 s9, s9;
	[sflag:s17] =	ssyncadd.s32 $0xFFFFFFF0;
	s1 =	sadd.s32 s29, s1  }
0x14d: {  	s18 =	smul.u32 s11, s11;
	s0 =	sadd.s32 s13, s0;
	s1 =	sadd.s32 s9, s1  }
0x14e: {  	s19 =	smul.u32 s15, s15;
	s0 =	sadd.s32 s14, s0;
	s1 =	sadd.s32 s15, s1  }
0x14f: {  	s20 =	smul.u32 s8, s8;
	_ =	swait.ge [sflag:s17], $0x30;
	s1 =	sadd.s32 s8, s1  }
0x150: {  	s0 =	sadd.s32 s19, s0;
	[sflag:s17] =	ssyncset.done $0x0;
	s1 =	sadd.s32 s11, s1  }
0x151: {  	s0 =	sadd.s32 s20, s0;
	[sflag:s17] =	ssyncadd.s32 $0xFFFFFFD0;
	s1 =	sadd.s32 s31, s1  }
0x152: {  	s0 =	sadd.s32 s18, s0;
	s1 =	scvt.s32.f32 s1  }
0x153: {  	s0 =	sadd.s32 s16, s0  }
0x154: {  	s0 =	scvt.s32.f32 s0;
	_ =	swait.ge [sflag:s17], $0x20;
	s21 =	sadd.f32 s1, s1  }
0x155: {  	[sflag:s17] =	ssyncset.done $0x0  }
0x156: {  	[sflag:s17] =	ssyncadd.s32 $0xFFFFFFE0;
	s3 =	ssub.f32 s21, s0  }
0x157: {  	s0 =	ssub.f32 s0, s1;
	_ =	sdelay $0x1  }
0x158: {  	_ =	swait.ge [sflag:s17], $0x10;
	s22 =	ssub.f32 $2.000000000e+02, s3;
	s0 =	smul.f32 $5.000000000e-01, s0  }
0x159: {  	[sflag:s17] =	ssyncset.done $0x0  }
0x15a: {  	[sflag:s17] =	ssyncadd.s32 $0xFFFFFFF0;
	s1 =	ssub.f32 s22, s0  }
0x15b: {  	s2 =	sld [smem:$0x190]  }
0x15c: {  	s23 =	sld [smem:$0x191]  }
0x15d: {  	s24 =	sld [smem:$0x210]  }
0x15e: {  	s25 =	sld [smem:$0x290]  }
0x15f: {  	s26 =	sld [smem:$0x211]  }
0x160: {  	s28 =	sld [smem:$0x291]  }
0x161: {  	s29 =	sld [smem:$0x110]  }
0x162: {  	s30 =	sld [smem:$0x111]  }
0x163: {  	s10 =	sld [smem:$0x390]  }
0x164: {  	s11 =	sld [smem:$0x410]  }
0x165: {  	s13 =	sld [smem:$0x391]  }
0x166: {  	s15 =	sld [smem:$0x411]  }
0x167: {  	s19 =	sld [smem:$0x490]  }
0x168: {  	s20 =	sld [smem:$0x491]  }
0x169: {  	s21 =	sld [smem:$0x492];
	s2 =	smul.f32 s2, s1  }
0x16a: {  	s22 =	sld [smem:$0x493];
	s1 =	smul.f32 s23, s1  }
0x16b: {  	s6 =	smul.f32 $6.553700000e+04, s29;
	s2 =	sadd.f32 $0.0e+00, s2  }
0x16c: {  	s7 =	smul.f32 $6.553700000e+04, s30;
	s1 =	sadd.f32 $0.0e+00, s1  }
0x16d: {  	s5 =	smul.f32 s24, s3;
	s9 =	ssub.f32 s6, s29  }
0x16e: {  	s3 =	smul.f32 s26, s3;
	s4 =	ssub.f32 s7, s30  }
0x16f: {  	s2 =	sadd.f32 s5, s2  }
0x170: {  	s12 =	smul.f32 $6.553700000e+04, s10;
	s1 =	sadd.f32 s3, s1  }
0x171: {  	s16 =	smul.f32 $6.553700000e+04, s13;
	s3 =	ssub.f32 s6, s9  }
0x172: {  	s17 =	smul.f32 $6.553700000e+04, s15;
	s6 =	ssub.f32 s12, s10  }
0x173: {  	s31 =	smul.f32 s25, s0;
	s5 =	ssub.f32 s16, s13  }
0x174: {  	s0 =	smul.f32 s28, s0;
	s9 =	ssub.f32 s17, s15  }
0x175: {  	s2 =	sadd.f32 s31, s2  }
0x176: {  	s14 =	smul.f32 $6.553700000e+04, s11;
	s0 =	sadd.f32 s0, s1  }
0x177: {  	s1 =	ssub.f32 s7, s4  }
0x178: {  	s7 =	ssub.f32 s14, s11  }
0x179: {  	s4 =	ssub.f32 s12, s6  }
0x17a: {  	s5 =	ssub.f32 s16, s5  }
0x17b: {  	s18 =	ssub.f32 s17, s9;
	s4 =	smul.f32 s4, s3  }
0x17c: {  	s7 =	ssub.f32 s14, s7;
	s2 =	smul.f32 $4.999999890e-03, s2  }
0x17d: {  	s0 =	smul.f32 $4.999999890e-03, s0;
	s4 =	sadd.f32 $0.0e+00, s4  }
0x17e: {  	s3 =	smul.f32 s7, s3;
	s2 =	sadd.f32 s2, s2  }
0x17f: {  	s5 =	smul.f32 s5, s1;
	s0 =	sadd.f32 s0, s0  }
0x180: {  	s1 =	smul.f32 s18, s1;
	s3 =	sadd.f32 $0.0e+00, s3  }
0x181: {  	s4 =	sadd.f32 s5, s4;
	s2 =	smul.f32 s21, s2  }
0x182: {  	s0 =	smul.f32 s22, s0;
	s1 =	sadd.f32 s1, s3  }
0x183: {  	s3 =	smul.f32 s4, s19  }
0x184: {  	s1 =	smul.f32 s1, s20  }
0x185: {  	s0 =	sadd.f32 s0, s2  }
0x186: {  	s1 =	sadd.f32 s1, s3  }
0x187: {  	s25 =	sld [smem:$0x3FD0]  }
0x188: {  	s0 =	sadd.f32 s1, s0;
	_ =	sdelay $0x1  }
0x189: {  	s23 =	simm.s32 $0x510;
	s24 =	simm.s32 $0xB;
	[smem:$0x510] =	sst s0  }
0x18a: {  	[hbm:s25], [sflag:s24] =	dma.local [smem:s23], $0x10  }
0x18b: {  	_ =	swait.ge [sflag:s24], $0x10  }
0x18c: {  	[sflag:s24] =	ssyncset.done $0x0  }
0x18d: {  	[sflag:s24] =	ssyncadd.s32 $0xFFFFFFF0  }
0x18e: {  	_ =	strace $0x90000046  }
0x18f: {  	_ =	sfence  }
0x190: {  	s26 =	sld [smem:$0x0];
	_ =	sdelay $0x1  }
0x191: {  	s28 =	srdreg.scid  }
0x192: {  	s29 =	sshll.u32 s28, $0xD;
	s30 =	sshrl.u32 s28, $0x2  }
0x193: {  	s31 =	sand.u32 $0x1, s28;
	s1 =	sand.u32 $0x4000, s29;
	s0 =	sadd.s32 s30, s26  }
0x194: {  	s1 =	sor.u32 s1, s31;
	s0 =	sshll.u32 s0, $0x11  }
0x195: {  	s0 =	sor.u32 s0, s1  }
0x196: {  	s0 =	sadd.s32 $0x8F2B, s0;
	(pc) =	sbr.abs _section_cstart, $3  }
0x197: {  	[sflag:s0] =	ssyncadd.remote.s32 $0x1  }
0x198: {  	_ =	strace $0x9FFFFFFF  }
0x199: {  	(tm) =	ssettm $0x7FFFFFFF  }

</sc_bundles>
